<compile_context>
chip_gen: v7x
topology: tpu7x:2x2x1
jax: 0.10.2.dev20260603
libtpu: 0.0.44.dev20260713+nightly
codegen_flags: <defaults>
</compile_context>

<pallas_src>
import functools

import jax
import jax.numpy as jnp
from jax import lax
from jax.experimental import pallas as pl
from jax.experimental.pallas import tpu as pltpu
from jax.experimental.pallas import tpu_sc as plsc

NUM_ACTION = 1000000
EMB_DIM = 32
BATCH = 16384
HALF = EMB_DIM // 2

_info = plsc.get_sparse_core_info()
_NC, _NS = _info.num_cores, _info.num_subcores
_NW = _NC * _NS
_CHUNK = 128
_PER_W = 2 * BATCH // _NW
_NCHUNK = _PER_W // _CHUNK


@functools.partial(
    pl.kernel,
    mesh=plsc.VectorSubcoreMesh(core_axis_name="c", subcore_axis_name="s"),
    out_type=jax.ShapeDtypeStruct((_NW, _NCHUNK, _CHUNK, HALF), jnp.float32),
    scratch_types=[
        pltpu.VMEM((_NCHUNK, _CHUNK), jnp.int32),
        pltpu.VMEM((_NCHUNK, _CHUNK, HALF), jnp.float32),
        pltpu.SemaphoreType.DMA,
    ],
    compiler_params=pltpu.CompilerParams(use_tc_tiling_on_sc=False),
)
def _gather_kernel(table_hbm, idx_hbm, out_hbm, idx_v, rows_v, sem):
    wid = lax.axis_index("s") * _NC + lax.axis_index("c")
    pltpu.sync_copy(idx_hbm.at[wid], idx_v)
    copies = []
    for j in range(_NCHUNK):
        copies.append(
            pltpu.async_copy(table_hbm.at[idx_v.at[j]], rows_v.at[j], sem)
        )
    for cp in copies:
        cp.wait()
    pltpu.sync_copy(rows_v, out_hbm.at[wid])


def kernel(x, table):
    xi = x.astype(jnp.int32)
    idx2 = jnp.stack((2 * xi, 2 * xi + 1), axis=-1)
    idx2 = idx2.reshape(_NW, _NCHUNK, _CHUNK)
    table2 = table.reshape(2 * NUM_ACTION, HALF)
    out = _gather_kernel(table2, idx2)
    return out.reshape(BATCH, EMB_DIM)

# --- scband reference (transcript-rebuilt; emitter-appended) ---
"""Pipeline reference for scband-action-base-model-66443144069183 (READ-ONLY COPY).

The authoritative reference and input builder live on the scoring server;
editing this copy changes nothing except your own understanding.
"""

import jax, jax.numpy as jnp
import numpy as np

NUM_ACTION = 1000000
EMB_DIM = 32
BATCH = 16384

def setup_inputs(seed: int = 0) -> dict:
    key = jax.random.key(seed)
    k1, k2 = jax.random.split(key)
    x = jax.random.randint(k1, (BATCH,), 0, NUM_ACTION, dtype=jnp.int64 if jax.config.jax_enable_x64 else jnp.int32)
    table = jax.random.normal(k2, (NUM_ACTION, EMB_DIM), dtype=jnp.float32) * 0.02
    return {"x": x, "table": table}

def reference(x, table):
    # MyEmbedding(num_action, emb_dim, use_index_select=True):
    # use_index_select path is equivalent to a row gather from the table.
    # (B,) int indices -> (B, emb_dim)
    return jnp.take(table, x, axis=0)

if __name__ == "__main__":
    import jax
    _d = setup_inputs()
    print(jax.jit(kernel)(*tuple(_d.values())))

</pallas_src>

<mosaic_0001>
#map = affine_map<(d0, d1) -> (0, 0)>
#map1 = affine_map<(d0, d1) -> (0, 0, 0)>
#map2 = affine_map<(d0, d1) -> (0, 0, 0, 0)>
module attributes {stable_mosaic.version = 14 : i64} {
  func.func @_gather_kernel(%arg0: i32, %arg1: i32, %arg2: memref<2000000x16xf32, #tpu.memory_space<hbm>>, %arg3: memref<32x8x128xi32, #tpu.memory_space<hbm>>, %arg4: memref<32x8x128x16xf32, #tpu.memory_space<hbm>>, %arg5: memref<8x128xi32, #tpu.memory_space<vmem>>, %arg6: memref<8x128x16xf32, #tpu.memory_space<vmem>>, %arg7: memref<!tpu.dma_semaphore, #tpu.memory_space<semaphore_mem>>) attributes {dimension_semantics = [#tpu.dimension_semantics<core_parallel>, #tpu.dimension_semantics<subcore_parallel>], iteration_bounds = array<i64: 2, 16>, scalar_prefetch = 0 : i64, scratch_operands = 3 : i64, tpu.core_type = #tpu.core_type<sc_vector_subcore>, window_params = [{transform_indices = #map}, {transform_indices = #map1}, {transform_indices = #map2}]} {
    %mul3A = arith.constant 2 : i32
    %mul3A_0 = arith.muli %arg1, %mul3A : i32
    %add3A = arith.addi %mul3A_0, %arg0 : i32
    "tpu.region"() ({
      %run_scoped3A = tpu.sem_alloc : memref<!tpu.dma_semaphore, #tpu.memory_space<semaphore_mem>>
      %dma_start3A_191 = arith.constant 0 : i32
      %dma_start3A_192 = arith.constant 0 : i32
      %dma_start3A_193 = tpu.memref_slice %arg3[%add3A, %dma_start3A_191, %dma_start3A_192] : memref<32x8x128xi32, #tpu.memory_space<hbm>> -> memref<1x8x128xi32, #tpu.memory_space<hbm>>
      %dma_start3A_194 = tpu.memref_squeeze %dma_start3A_193 : memref<1x8x128xi32, #tpu.memory_space<hbm>> -> memref<8x128xi32, #tpu.memory_space<hbm>>
      %dma_start3A_195 = arith.constant 0 : i32
      %dma_start3A_196 = arith.constant 0 : i32
      %dma_start3A_197 = tpu.memref_slice %arg3[%add3A, %dma_start3A_195, %dma_start3A_196] : memref<32x8x128xi32, #tpu.memory_space<hbm>> -> memref<1x8x128xi32, #tpu.memory_space<hbm>>
      %dma_start3A_198 = tpu.memref_squeeze %dma_start3A_197 : memref<1x8x128xi32, #tpu.memory_space<hbm>> -> memref<8x128xi32, #tpu.memory_space<hbm>>
      tpu.enqueue_dma source(%dma_start3A_198 : memref<8x128xi32, #tpu.memory_space<hbm>>) target(%arg5 : memref<8x128xi32, #tpu.memory_space<vmem>>) target_semaphore(%run_scoped3A : memref<!tpu.dma_semaphore, #tpu.memory_space<semaphore_mem>>)
      %dma_wait3A_199 = arith.constant 0 : i32
      %dma_wait3A_200 = arith.constant 0 : i32
      %dma_wait3A_201 = tpu.memref_slice %arg3[%add3A, %dma_wait3A_199, %dma_wait3A_200] : memref<32x8x128xi32, #tpu.memory_space<hbm>> -> memref<1x8x128xi32, #tpu.memory_space<hbm>>
      %dma_wait3A_202 = tpu.memref_squeeze %dma_wait3A_201 : memref<1x8x128xi32, #tpu.memory_space<hbm>> -> memref<8x128xi32, #tpu.memory_space<hbm>>
      %dma_wait3A_203 = arith.constant 0 : i32
      %dma_wait3A_204 = arith.constant 0 : i32
      %dma_wait3A_205 = tpu.memref_slice %arg3[%add3A, %dma_wait3A_203, %dma_wait3A_204] : memref<32x8x128xi32, #tpu.memory_space<hbm>> -> memref<1x8x128xi32, #tpu.memory_space<hbm>>
      %dma_wait3A_206 = tpu.memref_squeeze %dma_wait3A_205 : memref<1x8x128xi32, #tpu.memory_space<hbm>> -> memref<8x128xi32, #tpu.memory_space<hbm>>
      tpu.wait_dma2 semaphore(%run_scoped3A : memref<!tpu.dma_semaphore, #tpu.memory_space<semaphore_mem>>) src(%dma_wait3A_206 : memref<8x128xi32, #tpu.memory_space<hbm>>) dst(%arg5 : memref<8x128xi32, #tpu.memory_space<vmem>>)
      tpu.yield
    }) : () -> ()
    %dma_start3A = arith.constant 0 : i32
    %dma_start3A_1 = arith.constant 0 : i32
    %dma_start3A_2 = arith.constant 0 : i32
    %dma_start3A_3 = arith.constant 0 : i32
    %dma_start3A_4 = tpu.memref_slice %arg6[%dma_start3A_1, %dma_start3A_2, %dma_start3A_3] : memref<8x128x16xf32, #tpu.memory_space<vmem>> -> memref<1x128x16xf32, #tpu.memory_space<vmem>>
    %dma_start3A_5 = tpu.memref_squeeze %dma_start3A_4 : memref<1x128x16xf32, #tpu.memory_space<vmem>> -> memref<128x16xf32, #tpu.memory_space<vmem>>
    %dma_start3A_6 = arith.constant 0 : i32
    %dma_start3A_7 = tpu.memref_slice %arg5[%dma_start3A, %dma_start3A_6] : memref<8x128xi32, #tpu.memory_space<vmem>> -> memref<1x128xi32, #tpu.memory_space<vmem>>
    %dma_start3A_8 = tpu.memref_squeeze %dma_start3A_7 : memref<1x128xi32, #tpu.memory_space<vmem>> -> memref<128xi32, #tpu.memory_space<vmem>>
    %dma_start3A_9 = arith.constant 0 : i32
    %dma_start3A_10 = arith.constant 0 : i32
    %dma_start3A_11 = tpu.memref_slice %arg2[%dma_start3A_9, %dma_start3A_10] : memref<2000000x16xf32, #tpu.memory_space<hbm>> -> memref<2000000x16xf32, #tpu.memory_space<hbm>>
    tpu.enqueue_indirect_dma source(%dma_start3A_11 : memref<2000000x16xf32, #tpu.memory_space<hbm>>) target(%dma_start3A_5 : memref<128x16xf32, #tpu.memory_space<vmem>>) offsets(%dma_start3A_8 : memref<128xi32, #tpu.memory_space<vmem>>) semaphore(%arg7 : memref<!tpu.dma_semaphore, #tpu.memory_space<semaphore_mem>>)
    %dma_start3A_12 = arith.constant 1 : i32
    %dma_start3A_13 = arith.constant 1 : i32
    %dma_start3A_14 = arith.constant 0 : i32
    %dma_start3A_15 = arith.constant 0 : i32
    %dma_start3A_16 = tpu.memref_slice %arg6[%dma_start3A_13, %dma_start3A_14, %dma_start3A_15] : memref<8x128x16xf32, #tpu.memory_space<vmem>> -> memref<1x128x16xf32, #tpu.memory_space<vmem>>
    %dma_start3A_17 = tpu.memref_squeeze %dma_start3A_16 : memref<1x128x16xf32, #tpu.memory_space<vmem>> -> memref<128x16xf32, #tpu.memory_space<vmem>>
    %dma_start3A_18 = arith.constant 0 : i32
    %dma_start3A_19 = tpu.memref_slice %arg5[%dma_start3A_12, %dma_start3A_18] : memref<8x128xi32, #tpu.memory_space<vmem>> -> memref<1x128xi32, #tpu.memory_space<vmem>>
    %dma_start3A_20 = tpu.memref_squeeze %dma_start3A_19 : memref<1x128xi32, #tpu.memory_space<vmem>> -> memref<128xi32, #tpu.memory_space<vmem>>
    %dma_start3A_21 = arith.constant 0 : i32
    %dma_start3A_22 = arith.constant 0 : i32
    %dma_start3A_23 = tpu.memref_slice %arg2[%dma_start3A_21, %dma_start3A_22] : memref<2000000x16xf32, #tpu.memory_space<hbm>> -> memref<2000000x16xf32, #tpu.memory_space<hbm>>
    tpu.enqueue_indirect_dma source(%dma_start3A_23 : memref<2000000x16xf32, #tpu.memory_space<hbm>>) target(%dma_start3A_17 : memref<128x16xf32, #tpu.memory_space<vmem>>) offsets(%dma_start3A_20 : memref<128xi32, #tpu.memory_space<vmem>>) semaphore(%arg7 : memref<!tpu.dma_semaphore, #tpu.memory_space<semaphore_mem>>)
    %dma_start3A_24 = arith.constant 2 : i32
    %dma_start3A_25 = arith.constant 2 : i32
    %dma_start3A_26 = arith.constant 0 : i32
    %dma_start3A_27 = arith.constant 0 : i32
    %dma_start3A_28 = tpu.memref_slice %arg6[%dma_start3A_25, %dma_start3A_26, %dma_start3A_27] : memref<8x128x16xf32, #tpu.memory_space<vmem>> -> memref<1x128x16xf32, #tpu.memory_space<vmem>>
    %dma_start3A_29 = tpu.memref_squeeze %dma_start3A_28 : memref<1x128x16xf32, #tpu.memory_space<vmem>> -> memref<128x16xf32, #tpu.memory_space<vmem>>
    %dma_start3A_30 = arith.constant 0 : i32
    %dma_start3A_31 = tpu.memref_slice %arg5[%dma_start3A_24, %dma_start3A_30] : memref<8x128xi32, #tpu.memory_space<vmem>> -> memref<1x128xi32, #tpu.memory_space<vmem>>
    %dma_start3A_32 = tpu.memref_squeeze %dma_start3A_31 : memref<1x128xi32, #tpu.memory_space<vmem>> -> memref<128xi32, #tpu.memory_space<vmem>>
    %dma_start3A_33 = arith.constant 0 : i32
    %dma_start3A_34 = arith.constant 0 : i32
    %dma_start3A_35 = tpu.memref_slice %arg2[%dma_start3A_33, %dma_start3A_34] : memref<2000000x16xf32, #tpu.memory_space<hbm>> -> memref<2000000x16xf32, #tpu.memory_space<hbm>>
    tpu.enqueue_indirect_dma source(%dma_start3A_35 : memref<2000000x16xf32, #tpu.memory_space<hbm>>) target(%dma_start3A_29 : memref<128x16xf32, #tpu.memory_space<vmem>>) offsets(%dma_start3A_32 : memref<128xi32, #tpu.memory_space<vmem>>) semaphore(%arg7 : memref<!tpu.dma_semaphore, #tpu.memory_space<semaphore_mem>>)
    %dma_start3A_36 = arith.constant 3 : i32
    %dma_start3A_37 = arith.constant 3 : i32
    %dma_start3A_38 = arith.constant 0 : i32
    %dma_start3A_39 = arith.constant 0 : i32
    %dma_start3A_40 = tpu.memref_slice %arg6[%dma_start3A_37, %dma_start3A_38, %dma_start3A_39] : memref<8x128x16xf32, #tpu.memory_space<vmem>> -> memref<1x128x16xf32, #tpu.memory_space<vmem>>
    %dma_start3A_41 = tpu.memref_squeeze %dma_start3A_40 : memref<1x128x16xf32, #tpu.memory_space<vmem>> -> memref<128x16xf32, #tpu.memory_space<vmem>>
    %dma_start3A_42 = arith.constant 0 : i32
    %dma_start3A_43 = tpu.memref_slice %arg5[%dma_start3A_36, %dma_start3A_42] : memref<8x128xi32, #tpu.memory_space<vmem>> -> memref<1x128xi32, #tpu.memory_space<vmem>>
    %dma_start3A_44 = tpu.memref_squeeze %dma_start3A_43 : memref<1x128xi32, #tpu.memory_space<vmem>> -> memref<128xi32, #tpu.memory_space<vmem>>
    %dma_start3A_45 = arith.constant 0 : i32
    %dma_start3A_46 = arith.constant 0 : i32
    %dma_start3A_47 = tpu.memref_slice %arg2[%dma_start3A_45, %dma_start3A_46] : memref<2000000x16xf32, #tpu.memory_space<hbm>> -> memref<2000000x16xf32, #tpu.memory_space<hbm>>
    tpu.enqueue_indirect_dma source(%dma_start3A_47 : memref<2000000x16xf32, #tpu.memory_space<hbm>>) target(%dma_start3A_41 : memref<128x16xf32, #tpu.memory_space<vmem>>) offsets(%dma_start3A_44 : memref<128xi32, #tpu.memory_space<vmem>>) semaphore(%arg7 : memref<!tpu.dma_semaphore, #tpu.memory_space<semaphore_mem>>)
    %dma_start3A_48 = arith.constant 4 : i32
    %dma_start3A_49 = arith.constant 4 : i32
    %dma_start3A_50 = arith.constant 0 : i32
    %dma_start3A_51 = arith.constant 0 : i32
    %dma_start3A_52 = tpu.memref_slice %arg6[%dma_start3A_49, %dma_start3A_50, %dma_start3A_51] : memref<8x128x16xf32, #tpu.memory_space<vmem>> -> memref<1x128x16xf32, #tpu.memory_space<vmem>>
    %dma_start3A_53 = tpu.memref_squeeze %dma_start3A_52 : memref<1x128x16xf32, #tpu.memory_space<vmem>> -> memref<128x16xf32, #tpu.memory_space<vmem>>
    %dma_start3A_54 = arith.constant 0 : i32
    %dma_start3A_55 = tpu.memref_slice %arg5[%dma_start3A_48, %dma_start3A_54] : memref<8x128xi32, #tpu.memory_space<vmem>> -> memref<1x128xi32, #tpu.memory_space<vmem>>
    %dma_start3A_56 = tpu.memref_squeeze %dma_start3A_55 : memref<1x128xi32, #tpu.memory_space<vmem>> -> memref<128xi32, #tpu.memory_space<vmem>>
    %dma_start3A_57 = arith.constant 0 : i32
    %dma_start3A_58 = arith.constant 0 : i32
    %dma_start3A_59 = tpu.memref_slice %arg2[%dma_start3A_57, %dma_start3A_58] : memref<2000000x16xf32, #tpu.memory_space<hbm>> -> memref<2000000x16xf32, #tpu.memory_space<hbm>>
    tpu.enqueue_indirect_dma source(%dma_start3A_59 : memref<2000000x16xf32, #tpu.memory_space<hbm>>) target(%dma_start3A_53 : memref<128x16xf32, #tpu.memory_space<vmem>>) offsets(%dma_start3A_56 : memref<128xi32, #tpu.memory_space<vmem>>) semaphore(%arg7 : memref<!tpu.dma_semaphore, #tpu.memory_space<semaphore_mem>>)
    %dma_start3A_60 = arith.constant 5 : i32
    %dma_start3A_61 = arith.constant 5 : i32
    %dma_start3A_62 = arith.constant 0 : i32
    %dma_start3A_63 = arith.constant 0 : i32
    %dma_start3A_64 = tpu.memref_slice %arg6[%dma_start3A_61, %dma_start3A_62, %dma_start3A_63] : memref<8x128x16xf32, #tpu.memory_space<vmem>> -> memref<1x128x16xf32, #tpu.memory_space<vmem>>
    %dma_start3A_65 = tpu.memref_squeeze %dma_start3A_64 : memref<1x128x16xf32, #tpu.memory_space<vmem>> -> memref<128x16xf32, #tpu.memory_space<vmem>>
    %dma_start3A_66 = arith.constant 0 : i32
    %dma_start3A_67 = tpu.memref_slice %arg5[%dma_start3A_60, %dma_start3A_66] : memref<8x128xi32, #tpu.memory_space<vmem>> -> memref<1x128xi32, #tpu.memory_space<vmem>>
    %dma_start3A_68 = tpu.memref_squeeze %dma_start3A_67 : memref<1x128xi32, #tpu.memory_space<vmem>> -> memref<128xi32, #tpu.memory_space<vmem>>
    %dma_start3A_69 = arith.constant 0 : i32
    %dma_start3A_70 = arith.constant 0 : i32
    %dma_start3A_71 = tpu.memref_slice %arg2[%dma_start3A_69, %dma_start3A_70] : memref<2000000x16xf32, #tpu.memory_space<hbm>> -> memref<2000000x16xf32, #tpu.memory_space<hbm>>
    tpu.enqueue_indirect_dma source(%dma_start3A_71 : memref<2000000x16xf32, #tpu.memory_space<hbm>>) target(%dma_start3A_65 : memref<128x16xf32, #tpu.memory_space<vmem>>) offsets(%dma_start3A_68 : memref<128xi32, #tpu.memory_space<vmem>>) semaphore(%arg7 : memref<!tpu.dma_semaphore, #tpu.memory_space<semaphore_mem>>)
    %dma_start3A_72 = arith.constant 6 : i32
    %dma_start3A_73 = arith.constant 6 : i32
    %dma_start3A_74 = arith.constant 0 : i32
    %dma_start3A_75 = arith.constant 0 : i32
    %dma_start3A_76 = tpu.memref_slice %arg6[%dma_start3A_73, %dma_start3A_74, %dma_start3A_75] : memref<8x128x16xf32, #tpu.memory_space<vmem>> -> memref<1x128x16xf32, #tpu.memory_space<vmem>>
    %dma_start3A_77 = tpu.memref_squeeze %dma_start3A_76 : memref<1x128x16xf32, #tpu.memory_space<vmem>> -> memref<128x16xf32, #tpu.memory_space<vmem>>
    %dma_start3A_78 = arith.constant 0 : i32
    %dma_start3A_79 = tpu.memref_slice %arg5[%dma_start3A_72, %dma_start3A_78] : memref<8x128xi32, #tpu.memory_space<vmem>> -> memref<1x128xi32, #tpu.memory_space<vmem>>
    %dma_start3A_80 = tpu.memref_squeeze %dma_start3A_79 : memref<1x128xi32, #tpu.memory_space<vmem>> -> memref<128xi32, #tpu.memory_space<vmem>>
    %dma_start3A_81 = arith.constant 0 : i32
    %dma_start3A_82 = arith.constant 0 : i32
    %dma_start3A_83 = tpu.memref_slice %arg2[%dma_start3A_81, %dma_start3A_82] : memref<2000000x16xf32, #tpu.memory_space<hbm>> -> memref<2000000x16xf32, #tpu.memory_space<hbm>>
    tpu.enqueue_indirect_dma source(%dma_start3A_83 : memref<2000000x16xf32, #tpu.memory_space<hbm>>) target(%dma_start3A_77 : memref<128x16xf32, #tpu.memory_space<vmem>>) offsets(%dma_start3A_80 : memref<128xi32, #tpu.memory_space<vmem>>) semaphore(%arg7 : memref<!tpu.dma_semaphore, #tpu.memory_space<semaphore_mem>>)
    %dma_start3A_84 = arith.constant 7 : i32
    %dma_start3A_85 = arith.constant 7 : i32
    %dma_start3A_86 = arith.constant 0 : i32
    %dma_start3A_87 = arith.constant 0 : i32
    %dma_start3A_88 = tpu.memref_slice %arg6[%dma_start3A_85, %dma_start3A_86, %dma_start3A_87] : memref<8x128x16xf32, #tpu.memory_space<vmem>> -> memref<1x128x16xf32, #tpu.memory_space<vmem>>
    %dma_start3A_89 = tpu.memref_squeeze %dma_start3A_88 : memref<1x128x16xf32, #tpu.memory_space<vmem>> -> memref<128x16xf32, #tpu.memory_space<vmem>>
    %dma_start3A_90 = arith.constant 0 : i32
    %dma_start3A_91 = tpu.memref_slice %arg5[%dma_start3A_84, %dma_start3A_90] : memref<8x128xi32, #tpu.memory_space<vmem>> -> memref<1x128xi32, #tpu.memory_space<vmem>>
    %dma_start3A_92 = tpu.memref_squeeze %dma_start3A_91 : memref<1x128xi32, #tpu.memory_space<vmem>> -> memref<128xi32, #tpu.memory_space<vmem>>
    %dma_start3A_93 = arith.constant 0 : i32
    %dma_start3A_94 = arith.constant 0 : i32
    %dma_start3A_95 = tpu.memref_slice %arg2[%dma_start3A_93, %dma_start3A_94] : memref<2000000x16xf32, #tpu.memory_space<hbm>> -> memref<2000000x16xf32, #tpu.memory_space<hbm>>
    tpu.enqueue_indirect_dma source(%dma_start3A_95 : memref<2000000x16xf32, #tpu.memory_space<hbm>>) target(%dma_start3A_89 : memref<128x16xf32, #tpu.memory_space<vmem>>) offsets(%dma_start3A_92 : memref<128xi32, #tpu.memory_space<vmem>>) semaphore(%arg7 : memref<!tpu.dma_semaphore, #tpu.memory_space<semaphore_mem>>)
    %dma_wait3A = arith.constant 0 : i32
    %dma_wait3A_96 = arith.constant 0 : i32
    %dma_wait3A_97 = arith.constant 0 : i32
    %dma_wait3A_98 = arith.constant 0 : i32
    %dma_wait3A_99 = tpu.memref_slice %arg6[%dma_wait3A_96, %dma_wait3A_97, %dma_wait3A_98] : memref<8x128x16xf32, #tpu.memory_space<vmem>> -> memref<1x128x16xf32, #tpu.memory_space<vmem>>
    %dma_wait3A_100 = tpu.memref_squeeze %dma_wait3A_99 : memref<1x128x16xf32, #tpu.memory_space<vmem>> -> memref<128x16xf32, #tpu.memory_space<vmem>>
    %dma_wait3A_101 = arith.constant 0 : i32
    %dma_wait3A_102 = tpu.memref_slice %arg5[%dma_wait3A, %dma_wait3A_101] : memref<8x128xi32, #tpu.memory_space<vmem>> -> memref<1x128xi32, #tpu.memory_space<vmem>>
    %dma_wait3A_103 = tpu.memref_squeeze %dma_wait3A_102 : memref<1x128xi32, #tpu.memory_space<vmem>> -> memref<128xi32, #tpu.memory_space<vmem>>
    %dma_wait3A_104 = arith.constant 0 : i32
    %dma_wait3A_105 = arith.constant 0 : i32
    %dma_wait3A_106 = tpu.memref_slice %arg2[%dma_wait3A_104, %dma_wait3A_105] : memref<2000000x16xf32, #tpu.memory_space<hbm>> -> memref<2000000x16xf32, #tpu.memory_space<hbm>>
    tpu.wait_indirect_dma semaphore(%arg7 : memref<!tpu.dma_semaphore, #tpu.memory_space<semaphore_mem>>) src(%dma_wait3A_106 : memref<2000000x16xf32, #tpu.memory_space<hbm>>) dst(%dma_wait3A_100 : memref<128x16xf32, #tpu.memory_space<vmem>>)
    %dma_wait3A_107 = arith.constant 1 : i32
    %dma_wait3A_108 = arith.constant 1 : i32
    %dma_wait3A_109 = arith.constant 0 : i32
    %dma_wait3A_110 = arith.constant 0 : i32
    %dma_wait3A_111 = tpu.memref_slice %arg6[%dma_wait3A_108, %dma_wait3A_109, %dma_wait3A_110] : memref<8x128x16xf32, #tpu.memory_space<vmem>> -> memref<1x128x16xf32, #tpu.memory_space<vmem>>
    %dma_wait3A_112 = tpu.memref_squeeze %dma_wait3A_111 : memref<1x128x16xf32, #tpu.memory_space<vmem>> -> memref<128x16xf32, #tpu.memory_space<vmem>>
    %dma_wait3A_113 = arith.constant 0 : i32
    %dma_wait3A_114 = tpu.memref_slice %arg5[%dma_wait3A_107, %dma_wait3A_113] : memref<8x128xi32, #tpu.memory_space<vmem>> -> memref<1x128xi32, #tpu.memory_space<vmem>>
    %dma_wait3A_115 = tpu.memref_squeeze %dma_wait3A_114 : memref<1x128xi32, #tpu.memory_space<vmem>> -> memref<128xi32, #tpu.memory_space<vmem>>
    %dma_wait3A_116 = arith.constant 0 : i32
    %dma_wait3A_117 = arith.constant 0 : i32
    %dma_wait3A_118 = tpu.memref_slice %arg2[%dma_wait3A_116, %dma_wait3A_117] : memref<2000000x16xf32, #tpu.memory_space<hbm>> -> memref<2000000x16xf32, #tpu.memory_space<hbm>>
    tpu.wait_indirect_dma semaphore(%arg7 : memref<!tpu.dma_semaphore, #tpu.memory_space<semaphore_mem>>) src(%dma_wait3A_118 : memref<2000000x16xf32, #tpu.memory_space<hbm>>) dst(%dma_wait3A_112 : memref<128x16xf32, #tpu.memory_space<vmem>>)
    %dma_wait3A_119 = arith.constant 2 : i32
    %dma_wait3A_120 = arith.constant 2 : i32
    %dma_wait3A_121 = arith.constant 0 : i32
    %dma_wait3A_122 = arith.constant 0 : i32
    %dma_wait3A_123 = tpu.memref_slice %arg6[%dma_wait3A_120, %dma_wait3A_121, %dma_wait3A_122] : memref<8x128x16xf32, #tpu.memory_space<vmem>> -> memref<1x128x16xf32, #tpu.memory_space<vmem>>
    %dma_wait3A_124 = tpu.memref_squeeze %dma_wait3A_123 : memref<1x128x16xf32, #tpu.memory_space<vmem>> -> memref<128x16xf32, #tpu.memory_space<vmem>>
    %dma_wait3A_125 = arith.constant 0 : i32
    %dma_wait3A_126 = tpu.memref_slice %arg5[%dma_wait3A_119, %dma_wait3A_125] : memref<8x128xi32, #tpu.memory_space<vmem>> -> memref<1x128xi32, #tpu.memory_space<vmem>>
    %dma_wait3A_127 = tpu.memref_squeeze %dma_wait3A_126 : memref<1x128xi32, #tpu.memory_space<vmem>> -> memref<128xi32, #tpu.memory_space<vmem>>
    %dma_wait3A_128 = arith.constant 0 : i32
    %dma_wait3A_129 = arith.constant 0 : i32
    %dma_wait3A_130 = tpu.memref_slice %arg2[%dma_wait3A_128, %dma_wait3A_129] : memref<2000000x16xf32, #tpu.memory_space<hbm>> -> memref<2000000x16xf32, #tpu.memory_space<hbm>>
    tpu.wait_indirect_dma semaphore(%arg7 : memref<!tpu.dma_semaphore, #tpu.memory_space<semaphore_mem>>) src(%dma_wait3A_130 : memref<2000000x16xf32, #tpu.memory_space<hbm>>) dst(%dma_wait3A_124 : memref<128x16xf32, #tpu.memory_space<vmem>>)
    %dma_wait3A_131 = arith.constant 3 : i32
    %dma_wait3A_132 = arith.constant 3 : i32
    %dma_wait3A_133 = arith.constant 0 : i32
    %dma_wait3A_134 = arith.constant 0 : i32
    %dma_wait3A_135 = tpu.memref_slice %arg6[%dma_wait3A_132, %dma_wait3A_133, %dma_wait3A_134] : memref<8x128x16xf32, #tpu.memory_space<vmem>> -> memref<1x128x16xf32, #tpu.memory_space<vmem>>
    %dma_wait3A_136 = tpu.memref_squeeze %dma_wait3A_135 : memref<1x128x16xf32, #tpu.memory_space<vmem>> -> memref<128x16xf32, #tpu.memory_space<vmem>>
    %dma_wait3A_137 = arith.constant 0 : i32
    %dma_wait3A_138 = tpu.memref_slice %arg5[%dma_wait3A_131, %dma_wait3A_137] : memref<8x128xi32, #tpu.memory_space<vmem>> -> memref<1x128xi32, #tpu.memory_space<vmem>>
    %dma_wait3A_139 = tpu.memref_squeeze %dma_wait3A_138 : memref<1x128xi32, #tpu.memory_space<vmem>> -> memref<128xi32, #tpu.memory_space<vmem>>
    %dma_wait3A_140 = arith.constant 0 : i32
    %dma_wait3A_141 = arith.constant 0 : i32
    %dma_wait3A_142 = tpu.memref_slice %arg2[%dma_wait3A_140, %dma_wait3A_141] : memref<2000000x16xf32, #tpu.memory_space<hbm>> -> memref<2000000x16xf32, #tpu.memory_space<hbm>>
    tpu.wait_indirect_dma semaphore(%arg7 : memref<!tpu.dma_semaphore, #tpu.memory_space<semaphore_mem>>) src(%dma_wait3A_142 : memref<2000000x16xf32, #tpu.memory_space<hbm>>) dst(%dma_wait3A_136 : memref<128x16xf32, #tpu.memory_space<vmem>>)
    %dma_wait3A_143 = arith.constant 4 : i32
    %dma_wait3A_144 = arith.constant 4 : i32
    %dma_wait3A_145 = arith.constant 0 : i32
    %dma_wait3A_146 = arith.constant 0 : i32
    %dma_wait3A_147 = tpu.memref_slice %arg6[%dma_wait3A_144, %dma_wait3A_145, %dma_wait3A_146] : memref<8x128x16xf32, #tpu.memory_space<vmem>> -> memref<1x128x16xf32, #tpu.memory_space<vmem>>
    %dma_wait3A_148 = tpu.memref_squeeze %dma_wait3A_147 : memref<1x128x16xf32, #tpu.memory_space<vmem>> -> memref<128x16xf32, #tpu.memory_space<vmem>>
    %dma_wait3A_149 = arith.constant 0 : i32
    %dma_wait3A_150 = tpu.memref_slice %arg5[%dma_wait3A_143, %dma_wait3A_149] : memref<8x128xi32, #tpu.memory_space<vmem>> -> memref<1x128xi32, #tpu.memory_space<vmem>>
    %dma_wait3A_151 = tpu.memref_squeeze %dma_wait3A_150 : memref<1x128xi32, #tpu.memory_space<vmem>> -> memref<128xi32, #tpu.memory_space<vmem>>
    %dma_wait3A_152 = arith.constant 0 : i32
    %dma_wait3A_153 = arith.constant 0 : i32
    %dma_wait3A_154 = tpu.memref_slice %arg2[%dma_wait3A_152, %dma_wait3A_153] : memref<2000000x16xf32, #tpu.memory_space<hbm>> -> memref<2000000x16xf32, #tpu.memory_space<hbm>>
    tpu.wait_indirect_dma semaphore(%arg7 : memref<!tpu.dma_semaphore, #tpu.memory_space<semaphore_mem>>) src(%dma_wait3A_154 : memref<2000000x16xf32, #tpu.memory_space<hbm>>) dst(%dma_wait3A_148 : memref<128x16xf32, #tpu.memory_space<vmem>>)
    %dma_wait3A_155 = arith.constant 5 : i32
    %dma_wait3A_156 = arith.constant 5 : i32
    %dma_wait3A_157 = arith.constant 0 : i32
    %dma_wait3A_158 = arith.constant 0 : i32
    %dma_wait3A_159 = tpu.memref_slice %arg6[%dma_wait3A_156, %dma_wait3A_157, %dma_wait3A_158] : memref<8x128x16xf32, #tpu.memory_space<vmem>> -> memref<1x128x16xf32, #tpu.memory_space<vmem>>
    %dma_wait3A_160 = tpu.memref_squeeze %dma_wait3A_159 : memref<1x128x16xf32, #tpu.memory_space<vmem>> -> memref<128x16xf32, #tpu.memory_space<vmem>>
    %dma_wait3A_161 = arith.constant 0 : i32
    %dma_wait3A_162 = tpu.memref_slice %arg5[%dma_wait3A_155, %dma_wait3A_161] : memref<8x128xi32, #tpu.memory_space<vmem>> -> memref<1x128xi32, #tpu.memory_space<vmem>>
    %dma_wait3A_163 = tpu.memref_squeeze %dma_wait3A_162 : memref<1x128xi32, #tpu.memory_space<vmem>> -> memref<128xi32, #tpu.memory_space<vmem>>
    %dma_wait3A_164 = arith.constant 0 : i32
    %dma_wait3A_165 = arith.constant 0 : i32
    %dma_wait3A_166 = tpu.memref_slice %arg2[%dma_wait3A_164, %dma_wait3A_165] : memref<2000000x16xf32, #tpu.memory_space<hbm>> -> memref<2000000x16xf32, #tpu.memory_space<hbm>>
    tpu.wait_indirect_dma semaphore(%arg7 : memref<!tpu.dma_semaphore, #tpu.memory_space<semaphore_mem>>) src(%dma_wait3A_166 : memref<2000000x16xf32, #tpu.memory_space<hbm>>) dst(%dma_wait3A_160 : memref<128x16xf32, #tpu.memory_space<vmem>>)
    %dma_wait3A_167 = arith.constant 6 : i32
    %dma_wait3A_168 = arith.constant 6 : i32
    %dma_wait3A_169 = arith.constant 0 : i32
    %dma_wait3A_170 = arith.constant 0 : i32
    %dma_wait3A_171 = tpu.memref_slice %arg6[%dma_wait3A_168, %dma_wait3A_169, %dma_wait3A_170] : memref<8x128x16xf32, #tpu.memory_space<vmem>> -> memref<1x128x16xf32, #tpu.memory_space<vmem>>
    %dma_wait3A_172 = tpu.memref_squeeze %dma_wait3A_171 : memref<1x128x16xf32, #tpu.memory_space<vmem>> -> memref<128x16xf32, #tpu.memory_space<vmem>>
    %dma_wait3A_173 = arith.constant 0 : i32
    %dma_wait3A_174 = tpu.memref_slice %arg5[%dma_wait3A_167, %dma_wait3A_173] : memref<8x128xi32, #tpu.memory_space<vmem>> -> memref<1x128xi32, #tpu.memory_space<vmem>>
    %dma_wait3A_175 = tpu.memref_squeeze %dma_wait3A_174 : memref<1x128xi32, #tpu.memory_space<vmem>> -> memref<128xi32, #tpu.memory_space<vmem>>
    %dma_wait3A_176 = arith.constant 0 : i32
    %dma_wait3A_177 = arith.constant 0 : i32
    %dma_wait3A_178 = tpu.memref_slice %arg2[%dma_wait3A_176, %dma_wait3A_177] : memref<2000000x16xf32, #tpu.memory_space<hbm>> -> memref<2000000x16xf32, #tpu.memory_space<hbm>>
    tpu.wait_indirect_dma semaphore(%arg7 : memref<!tpu.dma_semaphore, #tpu.memory_space<semaphore_mem>>) src(%dma_wait3A_178 : memref<2000000x16xf32, #tpu.memory_space<hbm>>) dst(%dma_wait3A_172 : memref<128x16xf32, #tpu.memory_space<vmem>>)
    %dma_wait3A_179 = arith.constant 7 : i32
    %dma_wait3A_180 = arith.constant 7 : i32
    %dma_wait3A_181 = arith.constant 0 : i32
    %dma_wait3A_182 = arith.constant 0 : i32
    %dma_wait3A_183 = tpu.memref_slice %arg6[%dma_wait3A_180, %dma_wait3A_181, %dma_wait3A_182] : memref<8x128x16xf32, #tpu.memory_space<vmem>> -> memref<1x128x16xf32, #tpu.memory_space<vmem>>
    %dma_wait3A_184 = tpu.memref_squeeze %dma_wait3A_183 : memref<1x128x16xf32, #tpu.memory_space<vmem>> -> memref<128x16xf32, #tpu.memory_space<vmem>>
    %dma_wait3A_185 = arith.constant 0 : i32
    %dma_wait3A_186 = tpu.memref_slice %arg5[%dma_wait3A_179, %dma_wait3A_185] : memref<8x128xi32, #tpu.memory_space<vmem>> -> memref<1x128xi32, #tpu.memory_space<vmem>>
    %dma_wait3A_187 = tpu.memref_squeeze %dma_wait3A_186 : memref<1x128xi32, #tpu.memory_space<vmem>> -> memref<128xi32, #tpu.memory_space<vmem>>
    %dma_wait3A_188 = arith.constant 0 : i32
    %dma_wait3A_189 = arith.constant 0 : i32
    %dma_wait3A_190 = tpu.memref_slice %arg2[%dma_wait3A_188, %dma_wait3A_189] : memref<2000000x16xf32, #tpu.memory_space<hbm>> -> memref<2000000x16xf32, #tpu.memory_space<hbm>>
    tpu.wait_indirect_dma semaphore(%arg7 : memref<!tpu.dma_semaphore, #tpu.memory_space<semaphore_mem>>) src(%dma_wait3A_190 : memref<2000000x16xf32, #tpu.memory_space<hbm>>) dst(%dma_wait3A_184 : memref<128x16xf32, #tpu.memory_space<vmem>>)
    "tpu.region"() ({
      %run_scoped3A = tpu.sem_alloc : memref<!tpu.dma_semaphore, #tpu.memory_space<semaphore_mem>>
      %dma_start3A_191 = arith.constant 0 : i32
      %dma_start3A_192 = arith.constant 0 : i32
      %dma_start3A_193 = arith.constant 0 : i32
      %dma_start3A_194 = tpu.memref_slice %arg4[%add3A, %dma_start3A_191, %dma_start3A_192, %dma_start3A_193] : memref<32x8x128x16xf32, #tpu.memory_space<hbm>> -> memref<1x8x128x16xf32, #tpu.memory_space<hbm>>
      %dma_start3A_195 = tpu.memref_squeeze %dma_start3A_194 : memref<1x8x128x16xf32, #tpu.memory_space<hbm>> -> memref<8x128x16xf32, #tpu.memory_space<hbm>>
      %dma_start3A_196 = arith.constant 0 : i32
      %dma_start3A_197 = arith.constant 0 : i32
      %dma_start3A_198 = arith.constant 0 : i32
      %dma_start3A_199 = tpu.memref_slice %arg4[%add3A, %dma_start3A_196, %dma_start3A_197, %dma_start3A_198] : memref<32x8x128x16xf32, #tpu.memory_space<hbm>> -> memref<1x8x128x16xf32, #tpu.memory_space<hbm>>
      %dma_start3A_200 = tpu.memref_squeeze %dma_start3A_199 : memref<1x8x128x16xf32, #tpu.memory_space<hbm>> -> memref<8x128x16xf32, #tpu.memory_space<hbm>>
      tpu.enqueue_dma source(%arg6 : memref<8x128x16xf32, #tpu.memory_space<vmem>>) target(%dma_start3A_200 : memref<8x128x16xf32, #tpu.memory_space<hbm>>) target_semaphore(%run_scoped3A : memref<!tpu.dma_semaphore, #tpu.memory_space<semaphore_mem>>)
      %dma_wait3A_201 = arith.constant 0 : i32
      %dma_wait3A_202 = arith.constant 0 : i32
      %dma_wait3A_203 = arith.constant 0 : i32
      %dma_wait3A_204 = tpu.memref_slice %arg4[%add3A, %dma_wait3A_201, %dma_wait3A_202, %dma_wait3A_203] : memref<32x8x128x16xf32, #tpu.memory_space<hbm>> -> memref<1x8x128x16xf32, #tpu.memory_space<hbm>>
      %dma_wait3A_205 = tpu.memref_squeeze %dma_wait3A_204 : memref<1x8x128x16xf32, #tpu.memory_space<hbm>> -> memref<8x128x16xf32, #tpu.memory_space<hbm>>
      %dma_wait3A_206 = arith.constant 0 : i32
      %dma_wait3A_207 = arith.constant 0 : i32
      %dma_wait3A_208 = arith.constant 0 : i32
      %dma_wait3A_209 = tpu.memref_slice %arg4[%add3A, %dma_wait3A_206, %dma_wait3A_207, %dma_wait3A_208] : memref<32x8x128x16xf32, #tpu.memory_space<hbm>> -> memref<1x8x128x16xf32, #tpu.memory_space<hbm>>
      %dma_wait3A_210 = tpu.memref_squeeze %dma_wait3A_209 : memref<1x8x128x16xf32, #tpu.memory_space<hbm>> -> memref<8x128x16xf32, #tpu.memory_space<hbm>>
      tpu.wait_dma2 semaphore(%run_scoped3A : memref<!tpu.dma_semaphore, #tpu.memory_space<semaphore_mem>>) src(%arg6 : memref<8x128x16xf32, #tpu.memory_space<vmem>>) dst(%dma_wait3A_210 : memref<8x128x16xf32, #tpu.memory_space<hbm>>)
      tpu.yield
    }) : () -> ()
    return
  }
}

</mosaic_0001>

<sc_bundles>
// kernel: kernel.3.cloned.1.call-start
scs
__scs_entry_jumppad:
0x0: {  	(pc) =	sbr.rel $0x88, $3  }
0x1: {  	(tag) =	ssettag $0x0;
	lr =	simm.s32 $0x1  }
0x2: {  	[smem:$0x3F9F] =	sst lr;
	_ =	strace $0xD0000000  }
0x3: {  	_ = 	snop  }
0x4: {  	_ = 	snop  }
0x5: {  	_ = 	snop  }
0x6: {  	_ = 	snop  }
0x7: {  	_ = 	snop  }
__scs_overlays_trampoline_lowered:
0x8: {  	[smem:$0x3FAE] =	sst s0  }
0x9: {  	[smem:$0x3FAF] =	sst s1  }
0xa: {  	[smem:$0x3FB0] =	sst s2  }
0xb: {  	[smem:$0x3FB1] =	sst s3  }
0xc: {  	[smem:$0x3FB2] =	sst s4  }
0xd: {  	[smem:$0x3FB3] =	sst s5  }
0xe: {  	[smem:$0x3FB4] =	sst s6  }
0xf: {  	[smem:$0x3FB5] =	sst s7  }
0x10: {  	[smem:$0x3FB6] =	sst s8  }
0x11: {  	[smem:$0x3FB7] =	sst s9;
	s0 =	simm.s32 @!p0 $0x0  }
0x12: {  	s1 =	sld [smem:$0x3F9D];
	s0 =	simm.s32 @p0 $0x1  }
0x13: {  	[smem:$0x3FB8] =	sst s0;
	s0 =	simm.s32 @!p1 $0x0  }
0x14: {  	s2 =	sld [smem:$0x3F9C];
	s0 =	simm.s32 @p1 $0x1  }
0x15: {  	[smem:$0x3FB9] =	sst s0;
	s0 =	simm.s32 @!p2 $0x0  }
0x16: {  	s3 =	sld [smem:$0x3FDB];
	s0 =	simm.s32 @p2 $0x1  }
0x17: {  	s4 =	simm.s32 $0x1BF5;
	[smem:$0x3FBB] =	sst s0  }
0x18: {  	s0 =	sld [smem:$0x3F9E];
	_ =	swait.ge [sflag:s4], $0x0  }
0x19: {  	s7 =	sld [smem:$0x3F9F]  }
0x1a: {  	s8 =	sadd.s32 $0xFFFFE003, lr  }
0x1b: {  	s9 =	sadd.s32 $0xFFFFFEF7, lr;
	s5 =	simm.s32 $0xFFFFFFFF;
	p2 =	slt.u32 s8, $0xFFFFF086  }
0x1c: {  	p1 =	slt.u32 s9, $0xF7A;
	s5 =	simm.s32 @!p2 $0x0  }
0x1d: {  	s5 =	simm.s32 @p1 $0x1;
	p0 =	seq.s32 s7, s2  }
0x1e: {  	s7 =	smul.u32 @!p0 $0xF7A, s2;
	p2 =	seq.s32 @!p0 s5, $0x0  }
0x1f: {  	s9 =	smul.u32 $0xF7A, s1;
	s8 =	simm.s32 @!p0 $0x1BF5;
	p2 =	por !p2, p0  }
0x20: {  	[sflag:s8] =	ssyncset.s32 @!p0 $0xFFFFF086;
	s6 =	sadd.s32 @!p0 s3, s7;
	s7 =	simm.s32 @!p0 $0x108  }
0x21: {  	s3 =	sadd.s32 s3, s9;
	s6 =	sadd.s32 @!p0 $0x88, s6;
	s7 =	simm.s32 @p2 $0x1082  }
0x22: {  	[simem:s7], [sflag:s8] =	dma.local @!p0 [hbm:s6], $0xF7A  }
0x23: {  	s9 =	sor.u32 $0xD0000000, s2;
	s6 =	simm.s32 $0x108;
	_ =	swait.ge @!p0 [sflag:s8], $0x0  }
0x24: {  	s3 =	sadd.s32 $0x88, s3;
	s6 =	simm.s32 @!p1 $0x1082;
	[sflag:s4] =	ssyncset.s32 $0xFFFFF086  }
0x25: {  	[simem:s6], [sflag:s4] =	dma.local [hbm:s3], $0xF7A  }
0x26: {  	[smem:$0x3F9F] =	sst s1;
	(tag) =	ssettag s2;
	_ =	strace s9  }
0x27: {  	s1 =	sld [smem:$0x3FAF]  }
0x28: {  	s2 =	sld [smem:$0x3FB0]  }
0x29: {  	s4 =	sld [smem:$0x3FB2]  }
0x2a: {  	p0 =	seq.s32 s5, $0x0;
	s5 =	sld [smem:$0x3FB3]  }
0x2b: {  	s6 =	sld [smem:$0x3FB4]  }
0x2c: {  	s7 =	sld [smem:$0x3FB5]  }
0x2d: {  	s3 =	simm.s32 $0x108;
	s8 =	sld [smem:$0x3FB6]  }
0x2e: {  	s3 =	simm.s32 @!p0 $0x1082;
	s9 =	sld [smem:$0x3FB7]  }
0x2f: {  	lr =	sadd.s32 s0, s3;
	s0 =	sld [smem:$0x3FAE]  }
0x30: {  	s3 =	sld [smem:$0x3FB1]  }
0x31: {  	[smem:$0x3FBA] =	sst s10  }
0x32: {  	s10 =	sld [smem:$0x3FB8];
	_ =	sdelay $0x3  }
0x33: {  	p0 =	seq.s32 s10, $0x1;
	s10 =	sld [smem:$0x3FBA];
	_ =	sdelay $0x3  }
0x34: {  	[smem:$0x3FBA] =	sst s10  }
0x35: {  	s10 =	sld [smem:$0x3FB9];
	_ =	sdelay $0x3  }
0x36: {  	p1 =	seq.s32 s10, $0x1;
	s10 =	sld [smem:$0x3FBA];
	_ =	sdelay $0x3  }
0x37: {  	[smem:$0x3FBA] =	sst s10  }
0x38: {  	s10 =	sld [smem:$0x3FBB]  }
0x39: {  	_ = 	snop;
	(pc) =	sbr.ind lr, $3  }
0x3a: {  	_ = 	snop  }
0x3b: {  	_ = 	snop  }
0x3c: {  	p2 =	seq.s32 s10, $0x1;
	s10 =	sld [smem:$0x3FBA]  }
0x3d: {  	_ =	shalt  }
0x3e: {  	_ =	shalt  }
0x3f: {  	_ =	shalt  }
0x40: {  	_ =	shalt  }
0x41: {  	_ =	shalt  }
0x42: {  	_ =	shalt  }
0x43: {  	_ =	shalt  }
0x44: {  	_ =	shalt  }
0x45: {  	_ =	shalt  }
0x46: {  	_ =	shalt  }
0x47: {  	_ =	shalt  }
0x48: {  	_ =	shalt  }
0x49: {  	_ =	shalt  }
0x4a: {  	_ =	shalt  }
0x4b: {  	_ =	shalt  }
0x4c: {  	_ =	shalt  }
0x4d: {  	_ =	shalt  }
0x4e: {  	_ =	shalt  }
0x4f: {  	_ =	shalt  }
0x50: {  	_ =	shalt  }
0x51: {  	_ =	shalt  }
0x52: {  	_ =	shalt  }
0x53: {  	_ =	shalt  }
0x54: {  	_ =	shalt  }
0x55: {  	_ =	shalt  }
0x56: {  	_ =	shalt  }
0x57: {  	_ =	shalt  }
0x58: {  	_ =	shalt  }
0x59: {  	_ =	shalt  }
0x5a: {  	_ =	shalt  }
0x5b: {  	_ =	shalt  }
0x5c: {  	_ =	shalt  }
0x5d: {  	_ =	shalt  }
0x5e: {  	_ =	shalt  }
0x5f: {  	_ =	shalt  }
0x60: {  	_ =	shalt  }
0x61: {  	_ =	shalt  }
0x62: {  	_ =	shalt  }
0x63: {  	_ =	shalt  }
0x64: {  	_ =	shalt  }
0x65: {  	_ =	shalt  }
0x66: {  	_ =	shalt  }
0x67: {  	_ =	shalt  }
0x68: {  	_ =	shalt  }
0x69: {  	_ =	shalt  }
0x6a: {  	_ =	shalt  }
0x6b: {  	_ =	shalt  }
0x6c: {  	_ =	shalt  }
0x6d: {  	_ =	shalt  }
0x6e: {  	_ =	shalt  }
0x6f: {  	_ =	shalt  }
0x70: {  	_ =	shalt  }
0x71: {  	_ =	shalt  }
0x72: {  	_ =	shalt  }
0x73: {  	_ =	shalt  }
0x74: {  	_ =	shalt  }
0x75: {  	_ =	shalt  }
0x76: {  	_ =	shalt  }
0x77: {  	_ =	shalt  }
0x78: {  	_ =	shalt  }
0x79: {  	_ =	shalt  }
0x7a: {  	_ =	shalt  }
0x7b: {  	_ =	shalt  }
0x7c: {  	_ =	shalt  }
0x7d: {  	_ =	shalt  }
0x7e: {  	_ =	shalt  }
0x7f: {  	_ =	shalt  }
0x80: {  	_ =	shalt  }
0x81: {  	_ =	shalt  }
0x82: {  	_ =	shalt  }
0x83: {  	_ =	shalt  }
0x84: {  	_ =	shalt  }
0x85: {  	_ =	shalt  }
0x86: {  	_ =	shalt  }
0x87: {  	_ =	shalt  }
.Lfunc_end0:
.L_simem_size_0:
called_computation_lowered:
.L_overlay_start_0:
0x88: {  	s2 =	sld [smem:$0x3FD9]  }
0x89: {  	s3 =	sld [smem:$0x3FFE];
	_ =	sdelay $0x1  }
0x8a: {  	s1 =	srdreg.scid  }
0x8b: {  	s0 =	sand.u32 $0x1, s1  }
0x8c: {  	s17 =	sshll.u32 s0, $0xA;
	s2 =	sadd.s32 s3, s2  }
0x8d: {  	s2 =	sadd.s32 s2, s17  }
0x8e: {  	[smem:$0x3FC6] =	sst s2  }
0x8f: {  	_ = 	snop  }
0x90: {  	s2 =	sld [smem:$0x3FD0];
	(tm) =	ssettm $0x1  }
0x91: {  	s18 =	sld [smem:$0x3FFB];
	_ =	sdelay $0x3  }
0x92: {  	_ =	strace s18  }
0x93: {  	s3 =	sld [smem:$0x3FFC];
	_ =	sdelay $0x3  }
0x94: {  	_ =	strace s3  }
0x95: {  	s3 =	sld [smem:$0x3FFD];
	_ =	sdelay $0x3  }
0x96: {  	_ =	strace s3  }
0x97: {  	_ =	strace $0x8FFFFFFF  }
0x98: {  	s19 =	sld [smem:$0x3FDB];
	_ =	sdelay $0x1  }
0x99: {  	s4 =	simm.s32 $_scs_section_size  }
0x9a: {  	s5 =	simm.s32 $_size__tile_overlayer_lowered;
	s6 =	simm.s32 $_tile_overlayer_lowered  }
0x9b: {  	s22 =	simm.s32 $0x1BFF;
	s21 =	sshll.u32 s6, $0x1;
	s3 =	sadd.s32 s4, s19  }
0x9c: {  	s7 =	simm.s32 $0x0;
	s20 =	sshll.u32 s5, $0x1;
	s5 =	sadd.s32 s21, s3  }
0x9d: {  	[timem:s7], [sflag:s22] =	dma.local [hbm:s5], s20  }
0x9e: {  	_ =	swait.ge [sflag:s22], s20  }
0x9f: {  	s4 =	ssub.s32 $0x0, s20;
	[sflag:s22] =	ssyncset.done $0x0  }
0xa0: {  	[sflag:s22] =	ssyncadd.s32 s4;
	_ =	sdelay $0x1  }
0xa1: {  	s23 =	simm.s32 $0x1B8B  }
0xa2: {  	_ =	swait.ge [sflag:s23], $0x1  }
0xa3: {  	[sflag:s23] =	ssyncset.done $0x0  }
0xa4: {  	s25 =	simm.s32 $0x1B8E;
	s24 =	sld [smem:$0x3FFE];
	[sflag:s23] =	ssyncadd.s32 $0xFFFFFFFF  }
0xa5: {  	s26 =	simm.s32 $execute0_lowered;
	[smem:$0x3FD2] =	sst s25  }
0xa6: {  	s5 =	sshll.u32 s26, $0x1;
	_ =	strace $0x80000046;
	[dreg:$0x1] =	wrdreg $0xFFFFFFFF  }
0xa7: {  	s28 =	simm.s32 $_size_execute0_lowered;
	s3 =	sadd.s32 s3, s5;
	[dreg:$0x0] =	wrdreg $0x0  }
0xa8: {  	s5 =	sshll.u32 s28, $0x1;
	[dreg:$0x2] =	wrdreg s3  }
0xa9: {  	[dreg:$0x3] =	wrdreg s5  }
0xaa: {  	[dreg:$0x4] =	wrdreg $0xC0  }
0xab: {  	_ =	task [dreg:s7], $0x5FFFF  }
0xac: {  	[dreg:$0x1] =	wrdreg $0xFFFFFFFF  }
0xad: {  	[dreg:$0x0] =	wrdreg $0x60  }
0xae: {  	[dreg:$0x2] =	wrdreg s24  }
0xaf: {  	[dreg:$0x3] =	wrdreg s2  }
0xb0: {  	[dreg:$0x4] =	wrdreg $0x9  }
0xb1: {  	_ =	task.clear_ibuf [dreg:s7], $0x5FFFF;
	_ =	strace $0x90000046  }
0xb2: {  	s29 =	simm.s32 $0x9;
	_ =	strace $0x80000048  }
0xb3: {  	_ =	swait.ge [sflag:s29], $0x1  }
0xb4: {  	[sflag:s29] =	ssyncadd.s32 $0xFFFFFFFF  }
0xb5: {  	_ =	strace $0x90000048  }
0xb6: {  	_ =	sfence  }
0xb7: {  	s30 =	sld [smem:$0x0];
	_ =	sdelay $0x2  }
0xb8: {  	s31 =	sshll.u32 s1, $0xD;
	s1 =	sshrl.u32 s1, $0x2  }
0xb9: {  	s3 =	sand.u32 $0x4000, s31;
	s1 =	sadd.s32 s1, s30  }
0xba: {  	s0 =	sor.u32 s3, s0;
	s1 =	sshll.u32 s1, $0x11  }
0xbb: {  	s0 =	sor.u32 s1, s0  }
0xbc: {  	s0 =	sadd.s32 $0x8F2B, s0  }
0xbd: {  	[sflag:s0] =	ssyncadd.remote.s32 $0x1  }
0xbe: {  	_ =	sfence.sel $0xFFFF  }
0xbf: {  	[dreg:$0x0] =	wrdreg $0xFFFFFFFF;
	(pc) =	sbr.abs _section_cstart, $3  }
0xc0: {  	[dreg:$0x1] =	wrdreg $0xFFFFFFFF  }
0xc1: {  	_ =	task.clear_ibuf [dreg:s7], $0x2FFFF;
	_ =	strace $0x9FFFFFFF  }
0xc2: {  	(tm) =	ssettm $0x7FFFFFFF  }
0xc3: {  	_ =	shalt  }
tec
execute0_lowered:
.L_overlay_start_1:
0x0: {  	(tag) =	ssettag $0x1  }
0x1: {  	s1 =	srdreg.scid;
	s0 =	stileid.u32  }
0x2: {  	s5 =	rddreg [dreg:$0x0];
	s24 =	sand.u32 $0x1, s1;
	s30 =	sshll.u32 s0, $0x1  }
0x3: {  	s22 =	rddreg [dreg:$0x1];
	s23 =	sor.u32 s24, s30  }
0x4: {  	s2 =	simm.s32 $0x0;
	s1 =	rddreg [dreg:$0x2];
	s3 =	sshll.u32 s23, $0x7  }
0x5: {  	[smem:$0x7FF] =	sst s2;
	s3 =	sadd.s32 s3, s5  }
0x6: {  	_ =	strace $0x80000047;
	s4 =	sadd.s32 $0x800, s3;
	s3 =	simm.s32 $0x2  }
0x7: {  	[tilespmem:s2], [sflag:$0x2] =	stream.linear.gather [hbm4b:s4+s2], $0x400, $0x38;
	[tilespmem:$0x4400] =	vst v63  }
0x8: {  	_ =	swait.ge [sflag:s3], $0x400  }
0x9: {  	s6 =	simm.s32 $0x80;
	[sflag:s3] =	ssyncset.done $0x0  }
0xa: {  	s7 =	simm.s32 $0x400;
	s5 =	sadd.s32 $0xF42C00, s5;
	[sflag:s3] =	ssyncadd.s32 $0xFFFFFC00  }
0xb: {  	[tilespmem:s7], [sflag:$0x1] =	stream.indirect.gather [hbm4b:s5+s6], $0x10, s2, s6, $0xb8;
	[tilespmem:$0x4400] =	vst v63  }
0xc: {  	s8 =	simm.s32 $0xC00  }
0xd: {  	[tilespmem:s8], [sflag:$0x1] =	stream.indirect.gather [hbm4b:s5+s6], $0x10, s6, s6, $0xb8;
	[tilespmem:$0x4400] =	vst v63  }
0xe: {  	s9 =	simm.s32 $0x100;
	s10 =	simm.s32 $0x1400  }
0xf: {  	[tilespmem:s10], [sflag:$0x1] =	stream.indirect.gather [hbm4b:s5+s6], $0x10, s9, s6, $0xb8;
	[tilespmem:$0x4400] =	vst v63  }
0x10: {  	s11 =	simm.s32 $0x180;
	s12 =	simm.s32 $0x1C00  }
0x11: {  	[tilespmem:s12], [sflag:$0x1] =	stream.indirect.gather [hbm4b:s5+s6], $0x10, s11, s6, $0xb8;
	[tilespmem:$0x4400] =	vst v63  }
0x12: {  	s13 =	simm.s32 $0x200;
	s14 =	simm.s32 $0x2400  }
0x13: {  	[tilespmem:s14], [sflag:$0x1] =	stream.indirect.gather [hbm4b:s5+s6], $0x10, s13, s6, $0xb8;
	[tilespmem:$0x4400] =	vst v63  }
0x14: {  	s15 =	simm.s32 $0x280;
	s16 =	simm.s32 $0x2C00  }
0x15: {  	[tilespmem:s16], [sflag:$0x1] =	stream.indirect.gather [hbm4b:s5+s6], $0x10, s15, s6, $0xb8;
	[tilespmem:$0x4400] =	vst v63  }
0x16: {  	s17 =	simm.s32 $0x300;
	s18 =	simm.s32 $0x3400  }
0x17: {  	[tilespmem:s18], [sflag:$0x1] =	stream.indirect.gather [hbm4b:s5+s6], $0x10, s17, s6, $0xb8;
	[tilespmem:$0x4400] =	vst v63  }
0x18: {  	s19 =	simm.s32 $0x380;
	s20 =	simm.s32 $0x3C00;
	s21 =	simm.s32 $0x1  }
0x19: {  	[tilespmem:s20], [sflag:$0x1] =	stream.indirect.gather [hbm4b:s5+s6], $0x10, s19, s6, $0xb8;
	[tilespmem:$0x4400] =	vst v63  }
0x1a: {  	_ =	swait.ge [sflag:s21], $0x800  }
0x1b: {  	[sflag:s21] =	ssyncset.done $0x0  }
0x1c: {  	[sflag:s21] =	ssyncadd.s32 $0xFFFFF800  }
0x1d: {  	_ =	swait.ge [sflag:s21], $0x800  }
0x1e: {  	[sflag:s21] =	ssyncset.done $0x0  }
0x1f: {  	[sflag:s21] =	ssyncadd.s32 $0xFFFFF800  }
0x20: {  	_ =	swait.ge [sflag:s21], $0x800  }
0x21: {  	[sflag:s21] =	ssyncset.done $0x0  }
0x22: {  	[sflag:s21] =	ssyncadd.s32 $0xFFFFF800  }
0x23: {  	_ =	swait.ge [sflag:s21], $0x800  }
0x24: {  	[sflag:s21] =	ssyncset.done $0x0  }
0x25: {  	[sflag:s21] =	ssyncadd.s32 $0xFFFFF800  }
0x26: {  	_ =	swait.ge [sflag:s21], $0x800  }
0x27: {  	[sflag:s21] =	ssyncset.done $0x0  }
0x28: {  	[sflag:s21] =	ssyncadd.s32 $0xFFFFF800  }
0x29: {  	_ =	swait.ge [sflag:s21], $0x800  }
0x2a: {  	[sflag:s21] =	ssyncset.done $0x0  }
0x2b: {  	s24 =	ssub.s32 $0x2, s24;
	[sflag:s21] =	ssyncadd.s32 $0xFFFFF800  }
0x2c: {  	s25 =	sshrl.u32 s24, $0x1;
	_ =	swait.ge [sflag:s21], $0x800  }
0x2d: {  	s24 =	ssub.s32 s24, s25;
	[sflag:s21] =	ssyncset.done $0x0  }
0x2e: {  	s31 =	smax.u32 s24, $0x1;
	[sflag:s21] =	ssyncadd.s32 $0xFFFFF800  }
0x2f: {  	p0 =	sne.s32 s31, $0x1;
	_ =	swait.ge [sflag:s21], $0x800  }
.Ltmp0:
0x30: {  	s23 =	sshll.u32 s23, $0xB;
	[sflag:s21] =	ssyncset.done $0x0;
	(pc) =	sbr.rel @!p0 .LBB2_2-.Ltmp0, $4  }
0x31: {  	s22 =	sadd.s32 s22, s23;
	[sflag:s21] =	ssyncadd.s32 $0xFFFFF800  }
0x32: {  	[hbm4b:s22+s2] =	stream.linear.scatter [tilespmem:s7], [sflag:$0x2], $0x4000, $0x38;
	[tilespmem:$0x4400] =	vst v63  }
0x33: {  	_ =	swait.ge [sflag:s3], $0x4000  }
0x34: {  	s23 =	sadd.s32 $0xFFFFFFFF, s31;
	[sflag:s3] =	ssyncset.done $0x0  }
.LBB2_1:
0x35: {  	p0 =	sne.s32 s23, $0x1;
	s23 =	sadd.s32 $0xFFFFFFFF, s23;
	[sflag:s3] =	ssyncadd.s32 $0xFFFFC000  }
0x36: {  	[tilespmem:s2], [sflag:$0x2] =	stream.linear.gather [hbm4b:s4+s2], $0x400, $0x38;
	[tilespmem:$0x4400] =	vst v63  }
0x37: {  	_ =	swait.ge [sflag:s3], $0x400  }
0x38: {  	[sflag:s3] =	ssyncset.done $0x0  }
0x39: {  	[sflag:s3] =	ssyncadd.s32 $0xFFFFFC00  }
0x3a: {  	[tilespmem:s7], [sflag:$0x1] =	stream.indirect.gather [hbm4b:s5+s6], $0x10, s2, s6, $0xb8;
	[tilespmem:$0x4400] =	vst v63  }
0x3b: {  	_ = 	snop  }
0x3c: {  	[tilespmem:s8], [sflag:$0x1] =	stream.indirect.gather [hbm4b:s5+s6], $0x10, s6, s6, $0xb8;
	[tilespmem:$0x4400] =	vst v63  }
0x3d: {  	_ = 	snop  }
0x3e: {  	[tilespmem:s10], [sflag:$0x1] =	stream.indirect.gather [hbm4b:s5+s6], $0x10, s9, s6, $0xb8;
	[tilespmem:$0x4400] =	vst v63  }
0x3f: {  	_ = 	snop  }
0x40: {  	[tilespmem:s12], [sflag:$0x1] =	stream.indirect.gather [hbm4b:s5+s6], $0x10, s11, s6, $0xb8;
	[tilespmem:$0x4400] =	vst v63  }
0x41: {  	_ = 	snop  }
0x42: {  	[tilespmem:s14], [sflag:$0x1] =	stream.indirect.gather [hbm4b:s5+s6], $0x10, s13, s6, $0xb8;
	[tilespmem:$0x4400] =	vst v63  }
0x43: {  	_ = 	snop  }
0x44: {  	[tilespmem:s16], [sflag:$0x1] =	stream.indirect.gather [hbm4b:s5+s6], $0x10, s15, s6, $0xb8;
	[tilespmem:$0x4400] =	vst v63  }
0x45: {  	_ = 	snop  }
0x46: {  	[tilespmem:s18], [sflag:$0x1] =	stream.indirect.gather [hbm4b:s5+s6], $0x10, s17, s6, $0xb8;
	[tilespmem:$0x4400] =	vst v63  }
0x47: {  	_ = 	snop  }
0x48: {  	[tilespmem:s20], [sflag:$0x1] =	stream.indirect.gather [hbm4b:s5+s6], $0x10, s19, s6, $0xb8;
	[tilespmem:$0x4400] =	vst v63  }
0x49: {  	_ =	swait.ge [sflag:s21], $0x800  }
0x4a: {  	[sflag:s21] =	ssyncset.done $0x0  }
0x4b: {  	[sflag:s21] =	ssyncadd.s32 $0xFFFFF800  }
0x4c: {  	_ =	swait.ge [sflag:s21], $0x800  }
0x4d: {  	[sflag:s21] =	ssyncset.done $0x0  }
0x4e: {  	[sflag:s21] =	ssyncadd.s32 $0xFFFFF800  }
0x4f: {  	_ =	swait.ge [sflag:s21], $0x800  }
0x50: {  	[sflag:s21] =	ssyncset.done $0x0  }
0x51: {  	[sflag:s21] =	ssyncadd.s32 $0xFFFFF800  }
0x52: {  	_ =	swait.ge [sflag:s21], $0x800  }
0x53: {  	[sflag:s21] =	ssyncset.done $0x0  }
0x54: {  	[sflag:s21] =	ssyncadd.s32 $0xFFFFF800  }
0x55: {  	_ =	swait.ge [sflag:s21], $0x800  }
0x56: {  	[sflag:s21] =	ssyncset.done $0x0  }
0x57: {  	[sflag:s21] =	ssyncadd.s32 $0xFFFFF800  }
0x58: {  	_ =	swait.ge [sflag:s21], $0x800  }
0x59: {  	[sflag:s21] =	ssyncset.done $0x0  }
0x5a: {  	[sflag:s21] =	ssyncadd.s32 $0xFFFFF800  }
0x5b: {  	_ =	swait.ge [sflag:s21], $0x800  }
0x5c: {  	[sflag:s21] =	ssyncset.done $0x0  }
0x5d: {  	[sflag:s21] =	ssyncadd.s32 $0xFFFFF800  }
0x5e: {  	_ =	swait.ge [sflag:s21], $0x800  }
.Ltmp1:
0x5f: {  	[sflag:s21] =	ssyncset.done $0x0;
	(pc) =	sbr.rel @p0 .LBB2_1-.Ltmp1, $4  }
0x60: {  	[sflag:s21] =	ssyncadd.s32 $0xFFFFF800  }
0x61: {  	[hbm4b:s22+s2] =	stream.linear.scatter [tilespmem:s7], [sflag:$0x2], $0x4000, $0x38;
	[tilespmem:$0x4400] =	vst v63  }
0x62: {  	_ =	swait.ge [sflag:s3], $0x4000  }
0x63: {  	[sflag:s3] =	ssyncset.done $0x0  }
.LBB2_2:
0x64: {  	[sflag:s3] =	ssyncadd.s32 $0xFFFFC000  }
0x65: {  	_ =	sfence.sel $0x180000  }
0x66: {  	[bflag:$0x0] =	sbarrier.arrive $0xFFFF  }
0x67: {  	p0 =	sne.s32 s0, $0x0;
	_ =	strace $0x90000047  }
0x68: {  	s0 =	sadd.s32 @!p0 $0x100000, s1;
	[bflag:$0x2] =	sbarrier.arrive $0xFFFF  }
0x69: {  	[sflag:s0] =	ssyncadd.tile.s32 @!p0 $0x1;
	_ =	shalt  }
.Lfunc_end2:
_tile_overlayer_lowered:
.L_overlay_start_2:
0x6a: {  	(tag) =	ssettag $0x2  }
0x6b: {  	s0 =	rddreg [dreg:$0x0];
	s2 =	stileid.u32  }
0x6c: {  	s1 =	rddreg [dreg:$0x1];
	p0 =	sne.s32 s2, $0x0  }
0x6d: {  	s3 =	rddreg [dreg:$0x2];
	[bflag:$0x3] =	sbarrier.arrive $0xFFFF;
	s2 =	simm.s32 @!p0 $0x1C02  }
0x6e: {  	[timem:s3], [sflag:s2] =	dma.local @!p0 [hbm:s0], s1  }
0x6f: {  	s0 =	simm.s32 @!p0 $0x2  }
0x70: {  	_ =	swait.ge @!p0 [sflag:s0], s1  }
0x71: {  	s1 =	ssub.s32 @!p0 $0x0, s1;
	[sflag:s0] =	ssyncset.done @!p0 $0x0  }
0x72: {  	[sflag:s0] =	ssyncadd.s32 @!p0 s1  }
0x73: {  	[bflag:$0x3] =	sbarrier.arrive $0xFFFF  }
0x74: {  	_ =	shalt  }

</sc_bundles>
